<compile_context>
chip_gen: v7x
topology: tpu7x:2x2x1
jax: 0.10.2.dev20260603
libtpu: 0.0.44.dev20260713+nightly
codegen_flags: <defaults>
</compile_context>

<pallas_src>
import functools

import jax
import jax.numpy as jnp
from jax import lax
from jax.experimental import pallas as pl
from jax.experimental.pallas import tpu as pltpu
from jax.experimental.pallas import tpu_sc as plsc

_DIM = 64
_RANK = 128
_SCALE = 2.0

_CHUNK = 128


def _gather_body(tpw, nc, idxp_hbm, idx_hbm, w2_hbm, a_hbm, wout_hbm,
                 aout_hbm, idxp_v, idx_v, wbuf, abuf, sem):
    wid = lax.axis_index("s") * nc + lax.axis_index("c")
    base = wid * tpw

    def body(i, carry):
        off = base + i * _CHUNK
        pltpu.sync_copy(idxp_hbm.at[pl.ds(off, _CHUNK)], idxp_v)
        pltpu.sync_copy(idx_hbm.at[pl.ds(off, _CHUNK)], idx_v)
        cw = pltpu.async_copy(w2_hbm.at[idxp_v], wbuf, sem)
        ca = pltpu.async_copy(a_hbm.at[idx_v], abuf, sem)
        cw.wait()
        ca.wait()
        pltpu.sync_copy(wbuf, wout_hbm.at[pl.ds(off, _CHUNK)])
        pltpu.sync_copy(abuf, aout_hbm.at[pl.ds(off, _CHUNK)])
        return carry

    lax.fori_loop(0, tpw // _CHUNK, body, 0)


def _lora_mm_body(i_ref, eye_ref, w_ref, a_ref, b_ref, o_ref):
    p_row = lax.rem(i_ref[0], 2).astype(jnp.float32)
    p_col = lax.dot_general(eye_ref[...], p_row,
                            (((1,), (1,)), ((), ())),
                            preferred_element_type=jnp.float32)
    lo = w_ref[:, :_DIM]
    hi = w_ref[:, _DIM:]
    wsel = lo + p_col * (hi - lo)
    o_ref[...] = wsel + _SCALE * jnp.dot(
        a_ref[...], b_ref[...], preferred_element_type=jnp.float32)


def kernel(x, weight, lora_A, lora_B):
    b, s = x.shape
    n = b * s
    idx = x.reshape(n)
    idx_pair = idx // 2
    vocab = weight.shape[0]
    w2 = weight.reshape(vocab // 2, 2 * _DIM)

    info = plsc.get_sparse_core_info()
    nc, ns = info.num_cores, info.num_subcores
    nw = nc * ns
    tpw = n // nw

    gather = pl.kernel(
        functools.partial(_gather_body, tpw, nc),
        mesh=plsc.VectorSubcoreMesh(core_axis_name="c", subcore_axis_name="s"),
        out_type=[
            jax.ShapeDtypeStruct((n, 2 * _DIM), jnp.float32),
            jax.ShapeDtypeStruct((n, _RANK), jnp.float32),
        ],
        scratch_types=[
            pltpu.VMEM((_CHUNK,), jnp.int32),
            pltpu.VMEM((_CHUNK,), jnp.int32),
            pltpu.VMEM((_CHUNK, 2 * _DIM), jnp.float32),
            pltpu.VMEM((_CHUNK, _RANK), jnp.float32),
            pltpu.SemaphoreType.DMA,
        ],
    )
    w_rows, a_rows = gather(idx_pair, idx, w2, lora_A)

    t = 512
    eye = jnp.eye(t, dtype=jnp.float32)
    out = pl.pallas_call(
        _lora_mm_body,
        grid=(n // t,),
        in_specs=[
            pl.BlockSpec((1, 1, t), lambda i: (i, 0, 0)),
            pl.BlockSpec((t, t), lambda i: (0, 0)),
            pl.BlockSpec((t, 2 * _DIM), lambda i: (i, 0)),
            pl.BlockSpec((t, _RANK), lambda i: (i, 0)),
            pl.BlockSpec((_RANK, _DIM), lambda i: (0, 0)),
        ],
        out_specs=pl.BlockSpec((t, _DIM), lambda i: (i, 0)),
        out_shape=jax.ShapeDtypeStruct((n, _DIM), jnp.float32),
    )(idx.reshape(n // t, 1, t), eye, w_rows, a_rows, lora_B)

    return out.reshape(b, s, _DIM)

# --- scband reference (transcript-rebuilt; emitter-appended) ---
"""Pipeline reference for scband-embedding-lora-layer-12025908429262 (READ-ONLY COPY).

The authoritative reference and input builder live on the scoring server;
editing this copy changes nothing except your own understanding.
"""

import jax, jax.numpy as jnp
import numpy as np

VOCAB = 1000000
DIM = 64
R = 128
BATCH = 1024
SEQ = 200
PADDING_IDX = 0
SCALE = 2.0


def setup_inputs(seed: int = 0) -> dict:
    key = jax.random.key(seed)
    k1, k2, k3, k4 = jax.random.split(key, 4)
    x = jax.random.randint(k1, (BATCH, SEQ), 0, VOCAB, dtype=jnp.int32)
    weight = jax.random.normal(k2, (VOCAB, DIM), dtype=jnp.float32) * 0.02
    # Original inits lora_A to zeros; use small random values so the
    # low-rank path is numerically nontrivial while keeping the same math.
    lora_A = jax.random.normal(k3, (VOCAB, R), dtype=jnp.float32) * 0.01
    lora_B = jax.random.normal(k4, (R, DIM), dtype=jnp.float32)
    return {"x": x, "weight": weight, "lora_A": lora_A, "lora_B": lora_B}


def reference(x, weight, lora_A, lora_B):
    # result = F.embedding(x, weight, padding_idx)  (padding_idx only affects grads)
    result = jnp.take(weight, x, axis=0)            # [B, S, DIM]
    # after_A = F.embedding(x, lora_A, padding_idx)
    after_A = jnp.take(lora_A, x, axis=0)           # [B, S, R]
    result = result + SCALE * (after_A @ lora_B)    # [B, S, DIM]
    return result

if __name__ == "__main__":
    import jax
    _d = setup_inputs()
    print(jax.jit(kernel)(*tuple(_d.values())))

</pallas_src>

<mosaic_0001>
#map = affine_map<(d0, d1) -> (0)>
#map1 = affine_map<(d0, d1) -> (0, 0)>
module attributes {stable_mosaic.version = 14 : i64} {
  func.func @_gather_body(%arg0: i32, %arg1: i32, %arg2: memref<204800xi32, #tpu.memory_space<hbm>>, %arg3: memref<204800xi32, #tpu.memory_space<hbm>>, %arg4: memref<500000x128xf32, #tpu.memory_space<hbm>>, %arg5: memref<1000000x128xf32, #tpu.memory_space<hbm>>, %arg6: memref<204800x128xf32, #tpu.memory_space<hbm>>, %arg7: memref<204800x128xf32, #tpu.memory_space<hbm>>, %arg8: memref<128xi32, #tpu.memory_space<vmem>>, %arg9: memref<128xi32, #tpu.memory_space<vmem>>, %arg10: memref<128x128xf32, #tpu.memory_space<vmem>>, %arg11: memref<128x128xf32, #tpu.memory_space<vmem>>, %arg12: memref<!tpu.dma_semaphore, #tpu.memory_space<semaphore_mem>>) attributes {dimension_semantics = [#tpu.dimension_semantics<core_parallel>, #tpu.dimension_semantics<subcore_parallel>], iteration_bounds = array<i64: 2, 16>, scalar_prefetch = 0 : i64, scratch_operands = 5 : i64, tpu.core_type = #tpu.core_type<sc_vector_subcore>, window_params = [{transform_indices = #map}, {transform_indices = #map}, {transform_indices = #map1}, {transform_indices = #map1}, {transform_indices = #map1}, {transform_indices = #map1}]} {
    %mul3A = arith.constant 2 : i32
    %mul3A_0 = arith.muli %arg1, %mul3A : i32
    %add3A = arith.addi %mul3A_0, %arg0 : i32
    %mul3A_1 = arith.constant 6400 : i32
    %mul3A_2 = arith.muli %add3A, %mul3A_1 : i32
    %scan3A = arith.constant 0 : i32
    %scan3A_3 = arith.constant 0 : i32
    %scan3A_4 = arith.constant 50 : i32
    %scan3A_5 = arith.addi %scan3A_3, %scan3A_4 : i32
    %scan3A_6 = arith.constant 1 : i32
    scf.for %scan3A_8 = %scan3A_3 to %scan3A_5 step %scan3A_6  : i32 {
      %mul3A_9 = arith.constant 128 : i32
      %mul3A_10 = arith.muli %scan3A_8, %mul3A_9 : i32
      %add3A_11 = arith.addi %mul3A_2, %mul3A_10 : i32
      "tpu.region"() ({
        %run_scoped3A = tpu.sem_alloc : memref<!tpu.dma_semaphore, #tpu.memory_space<semaphore_mem>>
        %dma_start3A_22 = tpu.memref_slice %arg2[%add3A_11] : memref<204800xi32, #tpu.memory_space<hbm>> -> memref<128xi32, #tpu.memory_space<hbm>>
        %dma_start3A_23 = tpu.memref_slice %arg2[%add3A_11] : memref<204800xi32, #tpu.memory_space<hbm>> -> memref<128xi32, #tpu.memory_space<hbm>>
        tpu.enqueue_dma source(%dma_start3A_23 : memref<128xi32, #tpu.memory_space<hbm>>) target(%arg8 : memref<128xi32, #tpu.memory_space<vmem>>) target_semaphore(%run_scoped3A : memref<!tpu.dma_semaphore, #tpu.memory_space<semaphore_mem>>)
        %dma_wait3A_24 = tpu.memref_slice %arg2[%add3A_11] : memref<204800xi32, #tpu.memory_space<hbm>> -> memref<128xi32, #tpu.memory_space<hbm>>
        %dma_wait3A_25 = tpu.memref_slice %arg2[%add3A_11] : memref<204800xi32, #tpu.memory_space<hbm>> -> memref<128xi32, #tpu.memory_space<hbm>>
        tpu.wait_dma2 semaphore(%run_scoped3A : memref<!tpu.dma_semaphore, #tpu.memory_space<semaphore_mem>>) src(%dma_wait3A_25 : memref<128xi32, #tpu.memory_space<hbm>>) dst(%arg8 : memref<128xi32, #tpu.memory_space<vmem>>)
        tpu.yield
      }) : () -> ()
      "tpu.region"() ({
        %run_scoped3A = tpu.sem_alloc : memref<!tpu.dma_semaphore, #tpu.memory_space<semaphore_mem>>
        %dma_start3A_22 = tpu.memref_slice %arg3[%add3A_11] : memref<204800xi32, #tpu.memory_space<hbm>> -> memref<128xi32, #tpu.memory_space<hbm>>
        %dma_start3A_23 = tpu.memref_slice %arg3[%add3A_11] : memref<204800xi32, #tpu.memory_space<hbm>> -> memref<128xi32, #tpu.memory_space<hbm>>
        tpu.enqueue_dma source(%dma_start3A_23 : memref<128xi32, #tpu.memory_space<hbm>>) target(%arg9 : memref<128xi32, #tpu.memory_space<vmem>>) target_semaphore(%run_scoped3A : memref<!tpu.dma_semaphore, #tpu.memory_space<semaphore_mem>>)
        %dma_wait3A_24 = tpu.memref_slice %arg3[%add3A_11] : memref<204800xi32, #tpu.memory_space<hbm>> -> memref<128xi32, #tpu.memory_space<hbm>>
        %dma_wait3A_25 = tpu.memref_slice %arg3[%add3A_11] : memref<204800xi32, #tpu.memory_space<hbm>> -> memref<128xi32, #tpu.memory_space<hbm>>
        tpu.wait_dma2 semaphore(%run_scoped3A : memref<!tpu.dma_semaphore, #tpu.memory_space<semaphore_mem>>) src(%dma_wait3A_25 : memref<128xi32, #tpu.memory_space<hbm>>) dst(%arg9 : memref<128xi32, #tpu.memory_space<vmem>>)
        tpu.yield
      }) : () -> ()
      %dma_start3A = arith.constant 0 : i32
      %dma_start3A_12 = arith.constant 0 : i32
      %dma_start3A_13 = tpu.memref_slice %arg4[%dma_start3A, %dma_start3A_12] : memref<500000x128xf32, #tpu.memory_space<hbm>> -> memref<500000x128xf32, #tpu.memory_space<hbm>>
      tpu.enqueue_indirect_dma source(%dma_start3A_13 : memref<500000x128xf32, #tpu.memory_space<hbm>>) target(%arg10 : memref<128x128xf32, #tpu.memory_space<vmem>>) offsets(%arg8 : memref<128xi32, #tpu.memory_space<vmem>>) semaphore(%arg12 : memref<!tpu.dma_semaphore, #tpu.memory_space<semaphore_mem>>)
      %dma_start3A_14 = arith.constant 0 : i32
      %dma_start3A_15 = arith.constant 0 : i32
      %dma_start3A_16 = tpu.memref_slice %arg5[%dma_start3A_14, %dma_start3A_15] : memref<1000000x128xf32, #tpu.memory_space<hbm>> -> memref<1000000x128xf32, #tpu.memory_space<hbm>>
      tpu.enqueue_indirect_dma source(%dma_start3A_16 : memref<1000000x128xf32, #tpu.memory_space<hbm>>) target(%arg11 : memref<128x128xf32, #tpu.memory_space<vmem>>) offsets(%arg9 : memref<128xi32, #tpu.memory_space<vmem>>) semaphore(%arg12 : memref<!tpu.dma_semaphore, #tpu.memory_space<semaphore_mem>>)
      %dma_wait3A = arith.constant 0 : i32
      %dma_wait3A_17 = arith.constant 0 : i32
      %dma_wait3A_18 = tpu.memref_slice %arg4[%dma_wait3A, %dma_wait3A_17] : memref<500000x128xf32, #tpu.memory_space<hbm>> -> memref<500000x128xf32, #tpu.memory_space<hbm>>
      tpu.wait_indirect_dma semaphore(%arg12 : memref<!tpu.dma_semaphore, #tpu.memory_space<semaphore_mem>>) src(%dma_wait3A_18 : memref<500000x128xf32, #tpu.memory_space<hbm>>) dst(%arg10 : memref<128x128xf32, #tpu.memory_space<vmem>>)
      %dma_wait3A_19 = arith.constant 0 : i32
      %dma_wait3A_20 = arith.constant 0 : i32
      %dma_wait3A_21 = tpu.memref_slice %arg5[%dma_wait3A_19, %dma_wait3A_20] : memref<1000000x128xf32, #tpu.memory_space<hbm>> -> memref<1000000x128xf32, #tpu.memory_space<hbm>>
      tpu.wait_indirect_dma semaphore(%arg12 : memref<!tpu.dma_semaphore, #tpu.memory_space<semaphore_mem>>) src(%dma_wait3A_21 : memref<1000000x128xf32, #tpu.memory_space<hbm>>) dst(%arg11 : memref<128x128xf32, #tpu.memory_space<vmem>>)
      "tpu.region"() ({
        %run_scoped3A = tpu.sem_alloc : memref<!tpu.dma_semaphore, #tpu.memory_space<semaphore_mem>>
        %dma_start3A_22 = arith.constant 0 : i32
        %dma_start3A_23 = tpu.memref_slice %arg6[%add3A_11, %dma_start3A_22] : memref<204800x128xf32, #tpu.memory_space<hbm>> -> memref<128x128xf32, #tpu.memory_space<hbm>>
        %dma_start3A_24 = arith.constant 0 : i32
        %dma_start3A_25 = tpu.memref_slice %arg6[%add3A_11, %dma_start3A_24] : memref<204800x128xf32, #tpu.memory_space<hbm>> -> memref<128x128xf32, #tpu.memory_space<hbm>>
        tpu.enqueue_dma source(%arg10 : memref<128x128xf32, #tpu.memory_space<vmem>>) target(%dma_start3A_25 : memref<128x128xf32, #tpu.memory_space<hbm>>) target_semaphore(%run_scoped3A : memref<!tpu.dma_semaphore, #tpu.memory_space<semaphore_mem>>)
        %dma_wait3A_26 = arith.constant 0 : i32
        %dma_wait3A_27 = tpu.memref_slice %arg6[%add3A_11, %dma_wait3A_26] : memref<204800x128xf32, #tpu.memory_space<hbm>> -> memref<128x128xf32, #tpu.memory_space<hbm>>
        %dma_wait3A_28 = arith.constant 0 : i32
        %dma_wait3A_29 = tpu.memref_slice %arg6[%add3A_11, %dma_wait3A_28] : memref<204800x128xf32, #tpu.memory_space<hbm>> -> memref<128x128xf32, #tpu.memory_space<hbm>>
        tpu.wait_dma2 semaphore(%run_scoped3A : memref<!tpu.dma_semaphore, #tpu.memory_space<semaphore_mem>>) src(%arg10 : memref<128x128xf32, #tpu.memory_space<vmem>>) dst(%dma_wait3A_29 : memref<128x128xf32, #tpu.memory_space<hbm>>)
        tpu.yield
      }) : () -> ()
      "tpu.region"() ({
        %run_scoped3A = tpu.sem_alloc : memref<!tpu.dma_semaphore, #tpu.memory_space<semaphore_mem>>
        %dma_start3A_22 = arith.constant 0 : i32
        %dma_start3A_23 = tpu.memref_slice %arg7[%add3A_11, %dma_start3A_22] : memref<204800x128xf32, #tpu.memory_space<hbm>> -> memref<128x128xf32, #tpu.memory_space<hbm>>
        %dma_start3A_24 = arith.constant 0 : i32
        %dma_start3A_25 = tpu.memref_slice %arg7[%add3A_11, %dma_start3A_24] : memref<204800x128xf32, #tpu.memory_space<hbm>> -> memref<128x128xf32, #tpu.memory_space<hbm>>
        tpu.enqueue_dma source(%arg11 : memref<128x128xf32, #tpu.memory_space<vmem>>) target(%dma_start3A_25 : memref<128x128xf32, #tpu.memory_space<hbm>>) target_semaphore(%run_scoped3A : memref<!tpu.dma_semaphore, #tpu.memory_space<semaphore_mem>>)
        %dma_wait3A_26 = arith.constant 0 : i32
        %dma_wait3A_27 = tpu.memref_slice %arg7[%add3A_11, %dma_wait3A_26] : memref<204800x128xf32, #tpu.memory_space<hbm>> -> memref<128x128xf32, #tpu.memory_space<hbm>>
        %dma_wait3A_28 = arith.constant 0 : i32
        %dma_wait3A_29 = tpu.memref_slice %arg7[%add3A_11, %dma_wait3A_28] : memref<204800x128xf32, #tpu.memory_space<hbm>> -> memref<128x128xf32, #tpu.memory_space<hbm>>
        tpu.wait_dma2 semaphore(%run_scoped3A : memref<!tpu.dma_semaphore, #tpu.memory_space<semaphore_mem>>) src(%arg11 : memref<128x128xf32, #tpu.memory_space<vmem>>) dst(%dma_wait3A_29 : memref<128x128xf32, #tpu.memory_space<hbm>>)
        tpu.yield
      }) : () -> ()
    }
    %scan3A_7 = arith.constant 50 : i32
    return
  }
}

module attributes {stable_mosaic.version = 14 : i64} {
  func.func @_lora_mm_body(%arg0: i32, %arg1: memref<1x1x512xi32, #tpu.memory_space<vmem>>, %arg2: memref<512x512xf32, #tpu.memory_space<vmem>>, %arg3: memref<512x128xf32, #tpu.memory_space<vmem>>, %arg4: memref<512x128xf32, #tpu.memory_space<vmem>>, %arg5: memref<128x64xf32, #tpu.memory_space<vmem>>, %arg6: memref<512x64xf32, #tpu.memory_space<vmem>>) attributes {dimension_semantics = [#tpu.dimension_semantics<arbitrary>], iteration_bounds = array<i64: 400>, scalar_prefetch = 0 : i64, scratch_operands = 0 : i64, tpu.core_type = #tpu.core_type<tc>, window_params = [{transform_indices = @transform_0, window_bounds = array<i64: 1, 1, 512>}, {pipeline_mode = #tpu.pipeline_mode<synchronous>, transform_indices = @transform_1, window_bounds = array<i64: 512, 512>}, {transform_indices = @transform_2, window_bounds = array<i64: 512, 128>}, {transform_indices = @transform_3, window_bounds = array<i64: 512, 128>}, {pipeline_mode = #tpu.pipeline_mode<synchronous>, transform_indices = @transform_4, window_bounds = array<i64: 128, 64>}, {transform_indices = @transform_5, window_bounds = array<i64: 512, 64>}]} {
    %get3A = arith.constant 0 : index
    %get3A_0 = arith.constant 0 : index
    %get3A_1 = arith.constant 0 : index
    %get3A_2 = vector.load %arg1[%get3A, %get3A_0, %get3A_1] : memref<1x1x512xi32, #tpu.memory_space<vmem>>, vector<1x1x512xi32>
    %get3A_3 = vector.shape_cast %get3A_2 : vector<1x1x512xi32> to vector<1x512xi32>
    %rem3A = arith.constant 2 : i32
    %rem3A_4 = vector.broadcast %rem3A : i32 to vector<1x512xi32>
    %rem3A_5 = arith.remsi %get3A_3, %rem3A_4 : vector<1x512xi32>
    %convert_element_type3A = arith.sitofp %rem3A_5 : vector<1x512xi32> to vector<1x512xf32>
    %get3A_6 = arith.constant 0 : index
    %get3A_7 = arith.constant 0 : index
    %get3A_8 = vector.load %arg2[%get3A_6, %get3A_7] : memref<512x512xf32, #tpu.memory_space<vmem>>, vector<512x512xf32>
    %dot_general3A = arith.constant dense<0.000000e+00> : vector<512x1xf32>
    %dot_general3A_9 = tpu.matmul %get3A_8, %convert_element_type3A, %dot_general3A {dimension_numbers = #tpu.dot_dimension_numbers<[1], [1], [0], [0], [0, 0, 1, 0], [], []>, transpose_lhs_hint = false} : vector<512x512xf32>, vector<1x512xf32>, vector<512x1xf32> -> vector<512x1xf32>
    %get3A_10 = arith.constant 0 : index
    %get3A_11 = arith.constant 0 : index
    %get3A_12 = vector.load %arg3[%get3A_10, %get3A_11] : memref<512x128xf32, #tpu.memory_space<vmem>>, vector<512x64xf32>
    %get3A_13 = arith.constant 0 : index
    %get3A_14 = arith.constant 64 : index
    %get3A_15 = vector.load %arg3[%get3A_13, %get3A_14] : memref<512x128xf32, #tpu.memory_space<vmem>>, vector<512x64xf32>
    %sub3A = arith.subf %get3A_15, %get3A_12 : vector<512x64xf32>
    %mul3A = vector.broadcast %dot_general3A_9 : vector<512x1xf32> to vector<512x64xf32>
    %mul3A_16 = arith.mulf %mul3A, %sub3A : vector<512x64xf32>
    %add3A = arith.addf %get3A_12, %mul3A_16 : vector<512x64xf32>
    %get3A_17 = arith.constant 0 : index
    %get3A_18 = arith.constant 0 : index
    %get3A_19 = vector.load %arg4[%get3A_17, %get3A_18] : memref<512x128xf32, #tpu.memory_space<vmem>>, vector<512x128xf32>
    %get3A_20 = arith.constant 0 : index
    %get3A_21 = arith.constant 0 : index
    %get3A_22 = vector.load %arg5[%get3A_20, %get3A_21] : memref<128x64xf32, #tpu.memory_space<vmem>>, vector<128x64xf32>
    %dot_general3A_23 = arith.constant dense<0.000000e+00> : vector<512x64xf32>
    %dot_general3A_24 = tpu.matmul %get3A_19, %get3A_22, %dot_general3A_23 {dimension_numbers = #tpu.dot_dimension_numbers<[1], [0], [0], [1], [0, 0, 1, 1], [], []>, transpose_lhs_hint = false} : vector<512x128xf32>, vector<128x64xf32>, vector<512x64xf32> -> vector<512x64xf32>
    %mul3A_25 = arith.constant 2.000000e+00 : f32
    %mul3A_26 = vector.broadcast %mul3A_25 : f32 to vector<512x64xf32>
    %mul3A_27 = arith.mulf %mul3A_26, %dot_general3A_24 : vector<512x64xf32>
    %add3A_28 = arith.addf %add3A, %mul3A_27 : vector<512x64xf32>
    %swap3A = arith.constant 0 : index
    %swap3A_29 = arith.constant 0 : index
    %swap3A_30 = vector.load %arg6[%swap3A, %swap3A_29] : memref<512x64xf32, #tpu.memory_space<vmem>>, vector<512x64xf32>
    tpu.vector_store %arg6[%swap3A, %swap3A_29], %add3A_28 {strides = array<i32>} : memref<512x64xf32, #tpu.memory_space<vmem>>, vector<512x64xf32>,
    return
  }
  func.func @transform_0(%arg0: i32) -> (i32, i32, i32) {
    %c0_i32 = arith.constant 0 : i32
    %c0_i32_0 = arith.constant 0 : i32
    %c0_i32_1 = arith.constant 0 : i32
    return %arg0, %c0_i32, %c0_i32_0 : i32, i32, i32
  }
  func.func @transform_1(%arg0: i32) -> (i32, i32) {
    %c0_i32 = arith.constant 0 : i32
    %c0_i32_0 = arith.constant 0 : i32
    %c0_i32_1 = arith.constant 0 : i32
    return %c0_i32, %c0_i32_0 : i32, i32
  }
  func.func @transform_2(%arg0: i32) -> (i32, i32) {
    %c0_i32 = arith.constant 0 : i32
    %c0_i32_0 = arith.constant 0 : i32
    return %arg0, %c0_i32 : i32, i32
  }
  func.func @transform_3(%arg0: i32) -> (i32, i32) {
    %c0_i32 = arith.constant 0 : i32
    %c0_i32_0 = arith.constant 0 : i32
    return %arg0, %c0_i32 : i32, i32
  }
  func.func @transform_4(%arg0: i32) -> (i32, i32) {
    %c0_i32 = arith.constant 0 : i32
    %c0_i32_0 = arith.constant 0 : i32
    %c0_i32_1 = arith.constant 0 : i32
    return %c0_i32, %c0_i32_0 : i32, i32
  }
  func.func @transform_5(%arg0: i32) -> (i32, i32) {
    %c0_i32 = arith.constant 0 : i32
    %c0_i32_0 = arith.constant 0 : i32
    return %arg0, %c0_i32 : i32, i32
  }
}

</mosaic_0001>

<sc_bundles>
// kernel: kernel.4.cloned.1.call-start
scs
__scs_entry_jumppad:
0x0: {  	(pc) =	sbr.rel $0x88, $3  }
0x1: {  	(tag) =	ssettag $0x0;
	lr =	simm.s32 $0x1  }
0x2: {  	[smem:$0x3F9D] =	sst lr;
	_ =	strace $0xD0000000  }
0x3: {  	_ = 	snop  }
0x4: {  	_ = 	snop  }
0x5: {  	_ = 	snop  }
0x6: {  	_ = 	snop  }
0x7: {  	_ = 	snop  }
__scs_overlays_trampoline_lowered:
0x8: {  	[smem:$0x3FAC] =	sst s0  }
0x9: {  	[smem:$0x3FAD] =	sst s1  }
0xa: {  	[smem:$0x3FAE] =	sst s2  }
0xb: {  	[smem:$0x3FAF] =	sst s3  }
0xc: {  	[smem:$0x3FB0] =	sst s4  }
0xd: {  	[smem:$0x3FB1] =	sst s5  }
0xe: {  	[smem:$0x3FB2] =	sst s6  }
0xf: {  	[smem:$0x3FB3] =	sst s7  }
0x10: {  	[smem:$0x3FB4] =	sst s8  }
0x11: {  	[smem:$0x3FB5] =	sst s9;
	s0 =	simm.s32 @!p0 $0x0  }
0x12: {  	s1 =	sld [smem:$0x3F9B];
	s0 =	simm.s32 @p0 $0x1  }
0x13: {  	[smem:$0x3FB6] =	sst s0;
	s0 =	simm.s32 @!p1 $0x0  }
0x14: {  	s2 =	sld [smem:$0x3F9A];
	s0 =	simm.s32 @p1 $0x1  }
0x15: {  	[smem:$0x3FB7] =	sst s0;
	s0 =	simm.s32 @!p2 $0x0  }
0x16: {  	s3 =	sld [smem:$0x3FDB];
	s0 =	simm.s32 @p2 $0x1  }
0x17: {  	s4 =	simm.s32 $0x1BF5;
	[smem:$0x3FB9] =	sst s0  }
0x18: {  	s0 =	sld [smem:$0x3F9C];
	_ =	swait.ge [sflag:s4], $0x0  }
0x19: {  	s7 =	sld [smem:$0x3F9D]  }
0x1a: {  	s8 =	sadd.s32 $0xFFFFE003, lr  }
0x1b: {  	s9 =	sadd.s32 $0xFFFFFEF7, lr;
	s5 =	simm.s32 $0xFFFFFFFF;
	p2 =	slt.u32 s8, $0xFFFFF086  }
0x1c: {  	p1 =	slt.u32 s9, $0xF7A;
	s5 =	simm.s32 @!p2 $0x0  }
0x1d: {  	s5 =	simm.s32 @p1 $0x1;
	p0 =	seq.s32 s7, s2  }
0x1e: {  	s7 =	smul.u32 @!p0 $0xF7A, s2;
	p2 =	seq.s32 @!p0 s5, $0x0  }
0x1f: {  	s9 =	smul.u32 $0xF7A, s1;
	s8 =	simm.s32 @!p0 $0x1BF5;
	p2 =	por !p2, p0  }
0x20: {  	[sflag:s8] =	ssyncset.s32 @!p0 $0xFFFFF086;
	s6 =	sadd.s32 @!p0 s3, s7;
	s7 =	simm.s32 @!p0 $0x108  }
0x21: {  	s3 =	sadd.s32 s3, s9;
	s6 =	sadd.s32 @!p0 $0x88, s6;
	s7 =	simm.s32 @p2 $0x1082  }
0x22: {  	[simem:s7], [sflag:s8] =	dma.local @!p0 [hbm:s6], $0xF7A  }
0x23: {  	s9 =	sor.u32 $0xD0000000, s2;
	s6 =	simm.s32 $0x108;
	_ =	swait.ge @!p0 [sflag:s8], $0x0  }
0x24: {  	s3 =	sadd.s32 $0x88, s3;
	s6 =	simm.s32 @!p1 $0x1082;
	[sflag:s4] =	ssyncset.s32 $0xFFFFF086  }
0x25: {  	[simem:s6], [sflag:s4] =	dma.local [hbm:s3], $0xF7A  }
0x26: {  	[smem:$0x3F9D] =	sst s1;
	(tag) =	ssettag s2;
	_ =	strace s9  }
0x27: {  	s1 =	sld [smem:$0x3FAD]  }
0x28: {  	s2 =	sld [smem:$0x3FAE]  }
0x29: {  	s4 =	sld [smem:$0x3FB0]  }
0x2a: {  	p0 =	seq.s32 s5, $0x0;
	s5 =	sld [smem:$0x3FB1]  }
0x2b: {  	s6 =	sld [smem:$0x3FB2]  }
0x2c: {  	s7 =	sld [smem:$0x3FB3]  }
0x2d: {  	s3 =	simm.s32 $0x108;
	s8 =	sld [smem:$0x3FB4]  }
0x2e: {  	s3 =	simm.s32 @!p0 $0x1082;
	s9 =	sld [smem:$0x3FB5]  }
0x2f: {  	lr =	sadd.s32 s0, s3;
	s0 =	sld [smem:$0x3FAC]  }
0x30: {  	s3 =	sld [smem:$0x3FAF]  }
0x31: {  	[smem:$0x3FB8] =	sst s10  }
0x32: {  	s10 =	sld [smem:$0x3FB6];
	_ =	sdelay $0x3  }
0x33: {  	p0 =	seq.s32 s10, $0x1;
	s10 =	sld [smem:$0x3FB8];
	_ =	sdelay $0x3  }
0x34: {  	[smem:$0x3FB8] =	sst s10  }
0x35: {  	s10 =	sld [smem:$0x3FB7];
	_ =	sdelay $0x3  }
0x36: {  	p1 =	seq.s32 s10, $0x1;
	s10 =	sld [smem:$0x3FB8];
	_ =	sdelay $0x3  }
0x37: {  	[smem:$0x3FB8] =	sst s10  }
0x38: {  	s10 =	sld [smem:$0x3FB9]  }
0x39: {  	_ = 	snop;
	(pc) =	sbr.ind lr, $3  }
0x3a: {  	_ = 	snop  }
0x3b: {  	_ = 	snop  }
0x3c: {  	p2 =	seq.s32 s10, $0x1;
	s10 =	sld [smem:$0x3FB8]  }
0x3d: {  	_ =	shalt  }
0x3e: {  	_ =	shalt  }
0x3f: {  	_ =	shalt  }
0x40: {  	_ =	shalt  }
0x41: {  	_ =	shalt  }
0x42: {  	_ =	shalt  }
0x43: {  	_ =	shalt  }
0x44: {  	_ =	shalt  }
0x45: {  	_ =	shalt  }
0x46: {  	_ =	shalt  }
0x47: {  	_ =	shalt  }
0x48: {  	_ =	shalt  }
0x49: {  	_ =	shalt  }
0x4a: {  	_ =	shalt  }
0x4b: {  	_ =	shalt  }
0x4c: {  	_ =	shalt  }
0x4d: {  	_ =	shalt  }
0x4e: {  	_ =	shalt  }
0x4f: {  	_ =	shalt  }
0x50: {  	_ =	shalt  }
0x51: {  	_ =	shalt  }
0x52: {  	_ =	shalt  }
0x53: {  	_ =	shalt  }
0x54: {  	_ =	shalt  }
0x55: {  	_ =	shalt  }
0x56: {  	_ =	shalt  }
0x57: {  	_ =	shalt  }
0x58: {  	_ =	shalt  }
0x59: {  	_ =	shalt  }
0x5a: {  	_ =	shalt  }
0x5b: {  	_ =	shalt  }
0x5c: {  	_ =	shalt  }
0x5d: {  	_ =	shalt  }
0x5e: {  	_ =	shalt  }
0x5f: {  	_ =	shalt  }
0x60: {  	_ =	shalt  }
0x61: {  	_ =	shalt  }
0x62: {  	_ =	shalt  }
0x63: {  	_ =	shalt  }
0x64: {  	_ =	shalt  }
0x65: {  	_ =	shalt  }
0x66: {  	_ =	shalt  }
0x67: {  	_ =	shalt  }
0x68: {  	_ =	shalt  }
0x69: {  	_ =	shalt  }
0x6a: {  	_ =	shalt  }
0x6b: {  	_ =	shalt  }
0x6c: {  	_ =	shalt  }
0x6d: {  	_ =	shalt  }
0x6e: {  	_ =	shalt  }
0x6f: {  	_ =	shalt  }
0x70: {  	_ =	shalt  }
0x71: {  	_ =	shalt  }
0x72: {  	_ =	shalt  }
0x73: {  	_ =	shalt  }
0x74: {  	_ =	shalt  }
0x75: {  	_ =	shalt  }
0x76: {  	_ =	shalt  }
0x77: {  	_ =	shalt  }
0x78: {  	_ =	shalt  }
0x79: {  	_ =	shalt  }
0x7a: {  	_ =	shalt  }
0x7b: {  	_ =	shalt  }
0x7c: {  	_ =	shalt  }
0x7d: {  	_ =	shalt  }
0x7e: {  	_ =	shalt  }
0x7f: {  	_ =	shalt  }
0x80: {  	_ =	shalt  }
0x81: {  	_ =	shalt  }
0x82: {  	_ =	shalt  }
0x83: {  	_ =	shalt  }
0x84: {  	_ =	shalt  }
0x85: {  	_ =	shalt  }
0x86: {  	_ =	shalt  }
0x87: {  	_ =	shalt  }
.Lfunc_end0:
.L_simem_size_0:
called_computation.1_lowered:
.L_overlay_start_0:
0x88: {  	s2 =	sld [smem:$0x3FD9]  }
0x89: {  	s3 =	sld [smem:$0x3FFE];
	_ =	sdelay $0x1  }
0x8a: {  	s1 =	srdreg.scid  }
0x8b: {  	s0 =	sand.u32 $0x1, s1  }
0x8c: {  	s17 =	sshll.u32 s0, $0xA;
	s2 =	sadd.s32 s3, s2  }
0x8d: {  	s2 =	sadd.s32 s2, s17  }
0x8e: {  	[smem:$0x3FC4] =	sst s2  }
0x8f: {  	_ = 	snop  }
0x90: {  	s2 =	sld [smem:$0x3FC7];
	(tm) =	ssettm $0x1  }
0x91: {  	s18 =	sld [smem:$0x3FFB];
	_ =	sdelay $0x3  }
0x92: {  	_ =	strace s18  }
0x93: {  	s3 =	sld [smem:$0x3FFC];
	_ =	sdelay $0x3  }
0x94: {  	_ =	strace s3  }
0x95: {  	s3 =	sld [smem:$0x3FFD];
	_ =	sdelay $0x3  }
0x96: {  	_ =	strace s3  }
0x97: {  	_ =	strace $0x8FFFFFFF  }
0x98: {  	s19 =	sld [smem:$0x3FDB];
	_ =	sdelay $0x1  }
0x99: {  	s4 =	simm.s32 $_scs_section_size  }
0x9a: {  	s5 =	simm.s32 $_size__tile_overlayer_lowered;
	s6 =	simm.s32 $_tile_overlayer_lowered  }
0x9b: {  	s22 =	simm.s32 $0x1BFF;
	s21 =	sshll.u32 s6, $0x1;
	s3 =	sadd.s32 s4, s19  }
0x9c: {  	s7 =	simm.s32 $0x0;
	s20 =	sshll.u32 s5, $0x1;
	s5 =	sadd.s32 s21, s3  }
0x9d: {  	[timem:s7], [sflag:s22] =	dma.local [hbm:s5], s20  }
0x9e: {  	_ =	swait.ge [sflag:s22], s20  }
0x9f: {  	s4 =	ssub.s32 $0x0, s20;
	[sflag:s22] =	ssyncset.done $0x0  }
0xa0: {  	[sflag:s22] =	ssyncadd.s32 s4;
	_ =	sdelay $0x1  }
0xa1: {  	s23 =	simm.s32 $0x1B8B  }
0xa2: {  	_ =	swait.ge [sflag:s23], $0x1  }
0xa3: {  	[sflag:s23] =	ssyncset.done $0x0  }
0xa4: {  	s25 =	simm.s32 $0x1B8E;
	s24 =	sld [smem:$0x3FFE];
	[sflag:s23] =	ssyncadd.s32 $0xFFFFFFFF  }
0xa5: {  	s26 =	simm.s32 $execute0_lowered;
	[smem:$0x3FD2] =	sst s25  }
0xa6: {  	s5 =	sshll.u32 s26, $0x1;
	_ =	strace $0x80000046;
	[dreg:$0x1] =	wrdreg $0xFFFFFFFF  }
0xa7: {  	s28 =	simm.s32 $_size_execute0_lowered;
	s3 =	sadd.s32 s3, s5;
	[dreg:$0x0] =	wrdreg $0x0  }
0xa8: {  	s5 =	sshll.u32 s28, $0x1;
	[dreg:$0x2] =	wrdreg s3  }
0xa9: {  	[dreg:$0x3] =	wrdreg s5  }
0xaa: {  	[dreg:$0x4] =	wrdreg $0xC0  }
0xab: {  	_ =	task [dreg:s7], $0x5FFFF  }
0xac: {  	[dreg:$0x1] =	wrdreg $0xFFFFFFFF  }
0xad: {  	[dreg:$0x0] =	wrdreg $0x60  }
0xae: {  	[dreg:$0x2] =	wrdreg s24  }
0xaf: {  	[dreg:$0x3] =	wrdreg s2  }
0xb0: {  	[dreg:$0x4] =	wrdreg $0x9  }
0xb1: {  	_ =	task.clear_ibuf [dreg:s7], $0x5FFFF;
	_ =	strace $0x90000046  }
0xb2: {  	s29 =	simm.s32 $0x9;
	_ =	strace $0x80000048  }
0xb3: {  	_ =	swait.ge [sflag:s29], $0x1  }
0xb4: {  	[sflag:s29] =	ssyncadd.s32 $0xFFFFFFFF  }
0xb5: {  	_ =	strace $0x90000048  }
0xb6: {  	_ =	sfence  }
0xb7: {  	s30 =	sld [smem:$0x0];
	_ =	sdelay $0x2  }
0xb8: {  	s31 =	sshll.u32 s1, $0xD;
	s1 =	sshrl.u32 s1, $0x2  }
0xb9: {  	s3 =	sand.u32 $0x4000, s31;
	s1 =	sadd.s32 s1, s30  }
0xba: {  	s0 =	sor.u32 s3, s0;
	s1 =	sshll.u32 s1, $0x11  }
0xbb: {  	s0 =	sor.u32 s1, s0  }
0xbc: {  	s0 =	sadd.s32 $0x8F2B, s0  }
0xbd: {  	[sflag:s0] =	ssyncadd.remote.s32 $0x1  }
0xbe: {  	_ =	sfence.sel $0xFFFF  }
0xbf: {  	[dreg:$0x0] =	wrdreg $0xFFFFFFFF;
	(pc) =	sbr.abs _section_cstart, $3  }
0xc0: {  	[dreg:$0x1] =	wrdreg $0xFFFFFFFF  }
0xc1: {  	_ =	task.clear_ibuf [dreg:s7], $0x2FFFF;
	_ =	strace $0x9FFFFFFF  }
0xc2: {  	(tm) =	ssettm $0x7FFFFFFF  }
0xc3: {  	_ =	shalt  }
tec
execute0_lowered:
.L_overlay_start_1:
0x0: {  	(tag) =	ssettag $0x1  }
0x1: {  	s4 =	rddreg [dreg:$0x0]  }
0x2: {  	s2 =	rddreg [dreg:$0x1]  }
0x3: {  	s0 =	rddreg [dreg:$0x2]  }
0x4: {  	s5 =	srdreg.scid;
	s1 =	stileid.u32;
	s3 =	simm.s32 $0x0  }
0x5: {  	s11 =	simm.s32 $0x80;
	s12 =	simm.s32 $0x100;
	s6 =	smul.u32 $0x3200, s1  }
0x6: {  	s13 =	simm.s32 $0x4100;
	s5 =	sand.u32 $0x1, s5;
	s8 =	smul.u32 $0x32000, s1  }
0x7: {  	s14 =	simm.s32 $0x1;
	s15 =	simm.s32 $0x0;
	s7 =	smul.u32 $0x1900, s5  }
0x8: {  	[smem:$0x7FF] =	sst s3;
	s29 =	ssub.s32 $0x2, s5;
	s5 =	smul.u32 $0x19000, s5  }
0x9: {  	_ =	strace $0x80000047;
	s8 =	sadd.s32 s8, s4;
	s9 =	sshrl.u32 s29, $0x1  }
0xa: {  	s6 =	sadd.s32 s7, s6;
	s30 =	ssub.s32 s29, s9;
	s31 =	sadd.s32 s5, s8  }
0xb: {  	s6 =	sshrl.u32 s6, $0x3;
	s5 =	smax.u32 s30, $0x1;
	s7 =	sadd.s32 $0x32DC00, s31  }
0xc: {  	s10 =	sadd.s32 s6, s4;
	s4 =	sadd.s32 $0xF50000, s4;
	s6 =	sadd.s32 $0xDC00, s31  }
0xd: {  	s8 =	sadd.s32 $0x1400, s10;
	s9 =	sadd.s32 $0x7800, s10;
	s10 =	simm.s32 $0x2  }
.LBB2_1:
0xe: {  	s16 =	sadd.s32 $0x0, s9  }
0xf: {  	[tilespmem:s3], [sflag:$0x2] =	stream.linear.gather [hbm4b:s16+s3], $0x80, $0x38;
	[tilespmem:$0x8100] =	vst v63  }
0x10: {  	_ =	swait.ge [sflag:s10], $0x80  }
0x11: {  	[sflag:s10] =	ssyncset.done $0x0  }
0x12: {  	s31 =	sadd.s32 $0x0, s8;
	[sflag:s10] =	ssyncadd.s32 $0xFFFFFF80  }
0x13: {  	[tilespmem:s11], [sflag:$0x2] =	stream.linear.gather [hbm4b:s31+s3], $0x80, $0x38;
	[tilespmem:$0x8100] =	vst v63  }
0x14: {  	_ =	swait.ge [sflag:s10], $0x80  }
0x15: {  	[sflag:s10] =	ssyncset.done $0x0  }
0x16: {  	[sflag:s10] =	ssyncadd.s32 $0xFFFFFF80  }
0x17: {  	[tilespmem:s12], [sflag:$0x1] =	stream.indirect.gather [hbm4b:s4+s11], $0x80, s3, s11, $0xb8;
	[tilespmem:$0x8100] =	vst v63  }
0x18: {  	_ = 	snop  }
0x19: {  	[tilespmem:s13], [sflag:$0x1] =	stream.indirect.gather [hbm4b:s2+s11], $0x80, s11, s11, $0xb8;
	[tilespmem:$0x8100] =	vst v63  }
0x1a: {  	_ =	swait.ge [sflag:s14], $0x4000  }
0x1b: {  	[sflag:s14] =	ssyncset.done $0x0  }
0x1c: {  	[sflag:s14] =	ssyncadd.s32 $0xFFFFC000  }
0x1d: {  	_ =	swait.ge [sflag:s14], $0x4000  }
0x1e: {  	[sflag:s14] =	ssyncset.done $0x0  }
0x1f: {  	[sflag:s14] =	ssyncadd.s32 $0xFFFFC000  }
0x20: {  	[hbm4b:s6+s3] =	stream.linear.scatter [tilespmem:s12], [sflag:$0x2], $0x4000, $0x38;
	[tilespmem:$0x8100] =	vst v63  }
0x21: {  	_ =	swait.ge [sflag:s10], $0x4000  }
0x22: {  	[sflag:s10] =	ssyncset.done $0x0  }
0x23: {  	[sflag:s10] =	ssyncadd.s32 $0xFFFFC000  }
0x24: {  	[hbm4b:s7+s3] =	stream.linear.scatter [tilespmem:s13], [sflag:$0x2], $0x4000, $0x38;
	[tilespmem:$0x8100] =	vst v63  }
0x25: {  	s18 =	simm.s32 $0x10;
	s19 =	simm.s32 $0x20;
	_ =	swait.ge [sflag:s10], $0x4000  }
0x26: {  	s17 =	sadd.s32 $0x800, s6;
	s16 =	sadd.s32 $0x800, s7;
	[sflag:s10] =	ssyncset.done $0x0  }
.LBB2_2:
0x27: {  	s20 =	sadd.s32 s18, s9  }
0x28: {  	[sflag:s10] =	ssyncadd.s32 $0xFFFFC000;
	s21 =	smov.u32 s19;
	s22 =	sadd.s32 $0x10, s19  }
0x29: {  	[tilespmem:s3], [sflag:$0x2] =	stream.linear.gather [hbm4b:s20+s3], $0x80, $0x38;
	[tilespmem:$0x8100] =	vst v63  }
0x2a: {  	p0 =	sne.s32 s19, $0x310;
	_ =	swait.ge [sflag:s10], $0x80  }
0x2b: {  	[sflag:s10] =	ssyncset.done $0x0  }
0x2c: {  	s19 =	sadd.s32 s18, s8;
	s18 =	smov.u32 s21;
	[sflag:s10] =	ssyncadd.s32 $0xFFFFFF80  }
0x2d: {  	[tilespmem:s11], [sflag:$0x2] =	stream.linear.gather [hbm4b:s19+s3], $0x80, $0x38;
	[tilespmem:$0x8100] =	vst v63  }
0x2e: {  	_ =	swait.ge [sflag:s10], $0x80  }
0x2f: {  	[sflag:s10] =	ssyncset.done $0x0  }
0x30: {  	[sflag:s10] =	ssyncadd.s32 $0xFFFFFF80  }
0x31: {  	[tilespmem:s12], [sflag:$0x1] =	stream.indirect.gather [hbm4b:s4+s11], $0x80, s3, s11, $0xb8;
	[tilespmem:$0x8100] =	vst v63  }
0x32: {  	_ = 	snop  }
0x33: {  	[tilespmem:s13], [sflag:$0x1] =	stream.indirect.gather [hbm4b:s2+s11], $0x80, s11, s11, $0xb8;
	[tilespmem:$0x8100] =	vst v63  }
0x34: {  	_ =	swait.ge [sflag:s14], $0x4000  }
0x35: {  	[sflag:s14] =	ssyncset.done $0x0  }
0x36: {  	[sflag:s14] =	ssyncadd.s32 $0xFFFFC000  }
0x37: {  	_ =	swait.ge [sflag:s14], $0x4000  }
0x38: {  	[sflag:s14] =	ssyncset.done $0x0  }
0x39: {  	[sflag:s14] =	ssyncadd.s32 $0xFFFFC000  }
0x3a: {  	[hbm4b:s17+s3] =	stream.linear.scatter [tilespmem:s12], [sflag:$0x2], $0x4000, $0x38;
	[tilespmem:$0x8100] =	vst v63  }
0x3b: {  	_ =	swait.ge [sflag:s10], $0x4000  }
.Ltmp0:
0x3c: {  	[sflag:s10] =	ssyncset.done $0x0;
	(pc) =	sbr.rel @p0 .LBB2_2-.Ltmp0, $4  }
0x3d: {  	[sflag:s10] =	ssyncadd.s32 $0xFFFFC000  }
0x3e: {  	[hbm4b:s16+s3] =	stream.linear.scatter [tilespmem:s13], [sflag:$0x2], $0x4000, $0x38;
	[tilespmem:$0x8100] =	vst v63  }
0x3f: {  	s19 =	smov.u32 s22;
	_ =	swait.ge [sflag:s10], $0x4000  }
0x40: {  	s17 =	sadd.s32 $0x800, s17;
	s16 =	sadd.s32 $0x800, s16;
	[sflag:s10] =	ssyncset.done $0x0  }
0x41: {  	s19 =	sadd.s32 s18, s9;
	[sflag:s10] =	ssyncadd.s32 $0xFFFFC000  }
0x42: {  	[tilespmem:s3], [sflag:$0x2] =	stream.linear.gather [hbm4b:s19+s3], $0x80, $0x38;
	[tilespmem:$0x8100] =	vst v63  }
0x43: {  	_ =	swait.ge [sflag:s10], $0x80  }
0x44: {  	[sflag:s10] =	ssyncset.done $0x0  }
0x45: {  	s31 =	sadd.s32 s18, s8;
	[sflag:s10] =	ssyncadd.s32 $0xFFFFFF80  }
0x46: {  	[tilespmem:s11], [sflag:$0x2] =	stream.linear.gather [hbm4b:s31+s3], $0x80, $0x38;
	[tilespmem:$0x8100] =	vst v63  }
0x47: {  	_ =	swait.ge [sflag:s10], $0x80  }
0x48: {  	[sflag:s10] =	ssyncset.done $0x0  }
0x49: {  	[sflag:s10] =	ssyncadd.s32 $0xFFFFFF80  }
0x4a: {  	[tilespmem:s12], [sflag:$0x1] =	stream.indirect.gather [hbm4b:s4+s11], $0x80, s3, s11, $0xb8;
	[tilespmem:$0x8100] =	vst v63  }
0x4b: {  	_ = 	snop  }
0x4c: {  	[tilespmem:s13], [sflag:$0x1] =	stream.indirect.gather [hbm4b:s2+s11], $0x80, s11, s11, $0xb8;
	[tilespmem:$0x8100] =	vst v63  }
0x4d: {  	_ =	swait.ge [sflag:s14], $0x4000  }
0x4e: {  	[sflag:s14] =	ssyncset.done $0x0  }
0x4f: {  	[sflag:s14] =	ssyncadd.s32 $0xFFFFC000  }
0x50: {  	_ =	swait.ge [sflag:s14], $0x4000  }
0x51: {  	[sflag:s14] =	ssyncset.done $0x0  }
0x52: {  	[sflag:s14] =	ssyncadd.s32 $0xFFFFC000  }
0x53: {  	[hbm4b:s17+s3] =	stream.linear.scatter [tilespmem:s12], [sflag:$0x2], $0x4000, $0x38;
	[tilespmem:$0x8100] =	vst v63  }
0x54: {  	s15 =	sadd.s32 $0x1, s15;
	_ =	swait.ge [sflag:s10], $0x4000  }
0x55: {  	p0 =	sne.s32 s15, s5;
	[sflag:s10] =	ssyncset.done $0x0  }
.Ltmp1:
0x56: {  	[sflag:s10] =	ssyncadd.s32 $0xFFFFC000;
	(pc) =	sbr.rel @p0 .LBB2_1-.Ltmp1, $4  }
0x57: {  	[hbm4b:s16+s3] =	stream.linear.scatter [tilespmem:s13], [sflag:$0x2], $0x4000, $0x38;
	[tilespmem:$0x8100] =	vst v63  }
0x58: {  	_ =	swait.ge [sflag:s10], $0x4000  }
0x59: {  	[sflag:s10] =	ssyncset.done $0x0  }
0x5a: {  	[sflag:s10] =	ssyncadd.s32 $0xFFFFC000  }
0x5b: {  	_ =	sfence.sel $0x180000  }
0x5c: {  	[bflag:$0x0] =	sbarrier.arrive $0xFFFF  }
0x5d: {  	p0 =	sne.s32 s1, $0x0;
	_ =	strace $0x90000047  }
0x5e: {  	s0 =	sadd.s32 @!p0 $0x100000, s0;
	[bflag:$0x2] =	sbarrier.arrive $0xFFFF  }
0x5f: {  	[sflag:s0] =	ssyncadd.tile.s32 @!p0 $0x1;
	_ =	shalt  }
.Lfunc_end2:
_tile_overlayer_lowered:
.L_overlay_start_2:
0x60: {  	(tag) =	ssettag $0x2  }
0x61: {  	s0 =	rddreg [dreg:$0x0];
	s2 =	stileid.u32  }
0x62: {  	s1 =	rddreg [dreg:$0x1];
	p0 =	sne.s32 s2, $0x0  }
0x63: {  	s3 =	rddreg [dreg:$0x2];
	[bflag:$0x3] =	sbarrier.arrive $0xFFFF;
	s2 =	simm.s32 @!p0 $0x1C02  }
0x64: {  	[timem:s3], [sflag:s2] =	dma.local @!p0 [hbm:s0], s1  }
0x65: {  	s0 =	simm.s32 @!p0 $0x2  }
0x66: {  	_ =	swait.ge @!p0 [sflag:s0], s1  }
0x67: {  	s1 =	ssub.s32 @!p0 $0x0, s1;
	[sflag:s0] =	ssyncset.done @!p0 $0x0  }
0x68: {  	[sflag:s0] =	ssyncadd.s32 @!p0 s1  }
0x69: {  	[bflag:$0x3] =	sbarrier.arrive $0xFFFF  }
0x6a: {  	_ =	shalt  }

// kernel: sparse-core-data-format-call.cloned.1.call-start
scs
called_computation_lowered:
.L_overlay_start_0:
0x0: {  	s2 =	sld [smem:$0x3FD9]  }
0x1: {  	s3 =	sld [smem:$0x3FFE];
	_ =	sdelay $0x1  }
0x2: {  	s1 =	srdreg.scid  }
0x3: {  	s0 =	sand.u32 $0x1, s1  }
0x4: {  	s18 =	sshll.u32 s0, $0xA;
	s2 =	sadd.s32 s3, s2  }
0x5: {  	s2 =	sadd.s32 s2, s18  }
0x6: {  	[smem:$0x3FC4] =	sst s2  }
0x7: {  	_ = 	snop  }
0x8: {  	s2 =	sld [smem:$0x3FD0];
	(tm) =	ssettm $0x1  }
0x9: {  	s19 =	sld [smem:$0x3FFB];
	_ =	sdelay $0x3  }
0xa: {  	_ =	strace s19  }
0xb: {  	s3 =	sld [smem:$0x3FFC];
	_ =	sdelay $0x3  }
0xc: {  	_ =	strace s3  }
0xd: {  	s3 =	sld [smem:$0x3FFD];
	_ =	sdelay $0x3  }
0xe: {  	_ =	strace s3  }
0xf: {  	_ =	strace $0x8FFFFFFF  }
0x10: {  	s20 =	sld [smem:$0x3FDB];
	_ =	sdelay $0x1  }
0x11: {  	s4 =	simm.s32 $_scs_section_size  }
0x12: {  	s5 =	simm.s32 $_size__tile_overlayer_lowered;
	s6 =	simm.s32 $_tile_overlayer_lowered  }
0x13: {  	s23 =	simm.s32 $0x1BFF;
	s22 =	sshll.u32 s6, $0x1;
	s3 =	sadd.s32 s4, s20  }
0x14: {  	s7 =	simm.s32 $0x0;
	s21 =	sshll.u32 s5, $0x1;
	s5 =	sadd.s32 s22, s3  }
0x15: {  	[timem:s7], [sflag:s23] =	dma.local [hbm:s5], s21  }
0x16: {  	_ =	swait.ge [sflag:s23], s21  }
0x17: {  	s4 =	ssub.s32 $0x0, s21;
	[sflag:s23] =	ssyncset.done $0x0  }
0x18: {  	[sflag:s23] =	ssyncadd.s32 s4;
	_ =	sdelay $0x1  }
0x19: {  	s24 =	simm.s32 $0x1B8B  }
0x1a: {  	_ =	swait.ge [sflag:s24], $0x1  }
0x1b: {  	[sflag:s24] =	ssyncset.done $0x0  }
0x1c: {  	s26 =	simm.s32 $0x1B8E;
	s25 =	sld [smem:$0x3FFE];
	[sflag:s24] =	ssyncadd.s32 $0xFFFFFFFF  }
0x1d: {  	s27 =	simm.s32 $execute0_lowered;
	[smem:$0x3FD2] =	sst s26  }
0x1e: {  	s5 =	sshll.u32 s27, $0x1;
	_ =	strace $0x80000049;
	[dreg:$0x1] =	wrdreg $0xFFFFFFFF  }
0x1f: {  	s28 =	simm.s32 $_size_execute0_lowered;
	s3 =	sadd.s32 s3, s5;
	[dreg:$0x0] =	wrdreg $0x0  }
0x20: {  	s5 =	sshll.u32 s28, $0x1;
	[dreg:$0x2] =	wrdreg s3  }
0x21: {  	[dreg:$0x3] =	wrdreg s5  }
0x22: {  	[dreg:$0x4] =	wrdreg $0xC0  }
0x23: {  	_ =	task [dreg:s7], $0x5FFFF  }
0x24: {  	[dreg:$0x1] =	wrdreg $0xFFFFFFFF  }
0x25: {  	[dreg:$0x0] =	wrdreg $0x60  }
0x26: {  	[dreg:$0x2] =	wrdreg s25  }
0x27: {  	[dreg:$0x3] =	wrdreg s2  }
0x28: {  	[dreg:$0x4] =	wrdreg $0x9  }
0x29: {  	_ =	task.clear_ibuf [dreg:s7], $0x5FFFF;
	_ =	strace $0x90000049  }
0x2a: {  	s29 =	simm.s32 $0x9;
	_ =	strace $0x8000004B  }
0x2b: {  	_ =	swait.ge [sflag:s29], $0x1  }
0x2c: {  	[sflag:s29] =	ssyncadd.s32 $0xFFFFFFFF  }
0x2d: {  	_ =	strace $0x9000004B  }
0x2e: {  	_ =	sfence  }
0x2f: {  	s30 =	sld [smem:$0x0];
	_ =	sdelay $0x2  }
0x30: {  	s31 =	sshll.u32 s1, $0xD;
	s1 =	sshrl.u32 s1, $0x2  }
0x31: {  	s3 =	sand.u32 $0x4000, s31;
	s1 =	sadd.s32 s1, s30  }
0x32: {  	s0 =	sor.u32 s3, s0;
	s1 =	sshll.u32 s1, $0x11  }
0x33: {  	s0 =	sor.u32 s1, s0  }
0x34: {  	s0 =	sadd.s32 $0x8F2B, s0  }
0x35: {  	[sflag:s0] =	ssyncadd.remote.s32 $0x1  }
0x36: {  	_ =	sfence.sel $0xFFFF  }
0x37: {  	[dreg:$0x0] =	wrdreg $0xFFFFFFFF;
	(pc) =	sbr.abs _section_cstart, $3  }
0x38: {  	[dreg:$0x1] =	wrdreg $0xFFFFFFFF  }
0x39: {  	_ =	task.clear_ibuf [dreg:s7], $0x2FFFF;
	_ =	strace $0x9FFFFFFF  }
0x3a: {  	(tm) =	ssettm $0x7FFFFFFF  }
0x3b: {  	_ =	shalt  }
tec
execute0_lowered:
.L_overlay_start_1:
0x0: {  	(tag) =	ssettag $0x1  }
0x1: {  	s0 =	stileid.u32;
	s6 =	rddreg [dreg:$0x0]  }
0x2: {  	s2 =	rddreg [dreg:$0x1];
	s5 =	srdreg.scid  }
0x3: {  	s31 =	simm.s32 $0x2;
	s13 =	simm.s32 $0x0;
	s1 =	sshll.u32 s0, $0x7  }
0x4: {  	s14 =	simm.s32 $0x0;
	s12 =	simm.s32 $0x0;
	s3 =	sand.u32 $0x380, s1  }
0x5: {  	s5 =	sshll.u32 s5, $0x4;
	s6 =	sadd.s32 $0x64DC00, s6;
	s4 =	ssub.s32 $0x400, s3  }
0x6: {  	s1 =	rddreg [dreg:$0x2];
	_ =	strace $0x8000004A;
	s7 =	sand.u32 $0x380, s4  }
0x7: {  	s5 =	sand.u32 $0x10, s5;
	p0 =	sne.s32 s7, $0x0;
	s7 =	simm.s32 $0x1  }
.Ltmp0:
0x8: {  	s8 =	sshrl.u32 s4, $0xA;
	s7 =	simm.s32 @!p0 $0x0;
	(pc) =	sbr.rel .LBB1_1-.Ltmp0, $4  }
0x9: {  	s9 =	sor.u32 s0, s5;
	s4 =	simm.s32 $0x1;
	s30 =	sadd.s32 s7, s8  }
0xa: {  	s11 =	smov.u32 s3;
	[sflag:s4] =	ssyncpa.u1 $0x0;
	s5 =	smul.u32 $0x32, s30  }
0xb: {  	[sflag:s31] =	ssyncpa.u1 $0x0;
	p0 =	por $0x0, $0x0;
	s7 =	sshrl.u32 s9, $0x3  }
0xc: {  	s9 =	simm.s32 $0x2000;
	s10 =	smov.u32 s7;
	s8 =	sor.u32 $0x1, s5  }
.LBB1_4:
0xd: {  	s17 =	sand.u32 $0x1F80, s14;
	s13 =	sshll.u32 s13, $0xD  }
0xe: {  	[tilespmem:s16+$0x810 ss:$0x81] =	vst.msk $0xffff, v2;
	s18 =	sshrl.u32 s14, $0x3;
	s31 =	sand.u32 $0x7, s14;
	s17 =	sadd.s32 s2, s17  }
0xf: {  	[tilespmem:s16+$0x1020 ss:$0x81] =	vst.msk $0xffff, v0;
	s18 =	sand.u32 $0xF, s18;
	s14 =	sshll.u32 s31, $0x12;
	s13 =	sadd.s32 s13, s17  }
0x10: {  	[tilespmem:s16+$0x0 ss:$0x81] =	vst.msk $0xffff, v1;
	s14 =	sor.u32 $0x400, s14;
	s13 =	sadd.s32 s18, s13  }
0x11: {  	[hbm4b:s13+s14] =	stream.strided.scatter [tilespmem:s15], [sflag:$0x2], $0x2000, s9, s14, $0x20;
	[tilespmem:$0x8080] =	vst v63  }
.LBB1_5:
0x12: {  	s15 =	sadd.s32 $0x4, s10  }
0x13: {  	s13 =	sadd.s32 $0x400, s11;
	s17 =	smov.u32 s11;
	p2 =	sgt.s32 s15, $0xC7  }
0x14: {  	s17 =	smov.u32 @p2 s13  }
0x15: {  	s15 =	smov.u32 @p2 s7;
	p2 =	sgt.s32 s17, $0x3FF  }
0x16: {  	s17 =	smov.u32 @p2 s3;
	p2 =	sne.s32 s12, s8  }
.Ltmp1:
0x17: {  	p1 =	slt.u32 s12, $0x2;
	(pc) =	sbr.rel @!p2 .LBB1_6-.Ltmp1, $4  }
0x18: {  	s16 =	simm.s32 @!p1 $0x2  }
0x19: {  	s14 =	smov.u32 s11;
	p0 =	por !p0, !p0;
	_ =	swait.ge @!p1 [sflag:s16], $0x2000  }
0x1a: {  	s13 =	smov.u32 s10;
	[sflag:s16] =	ssyncset.done @!p1 $0x0;
	s10 =	smov.u32 s15  }
0x1b: {  	s12 =	sadd.s32 $0x1, s12;
	[sflag:s16] =	ssyncadd.s32 @!p1 $0xFFFFE000;
	s11 =	smov.u32 s17  }
.LBB1_1:
0x1c: {  	p1 =	sge.u32 s12, s5  }
0x1d: {  	s15 =	sand.u32 @!p1 $0x1FFFFFF, s10  }
0x1e: {  	s16 =	smulhi.u32 @!p1 $0x147AE15, s15;
	_ =	sdelay $0x1  }
0x1f: {  	s16 =	smul.u32 @!p1 $0xC8, s16  }
0x20: {  	s17 =	sxor.u32 @!p1 $0xFFFFFFFF, s12;
	s18 =	smul.u32 @!p1 $0xC80, s11  }
0x21: {  	s31 =	sadd.s32 $0xFFFFFFFF, s12;
	s17 =	sshll.u32 @!p1 s17, $0xD;
	s15 =	ssub.s32 @!p1 s15, s16  }
0x22: {  	s16 =	sand.u32 @!p1 $0x2000, s17;
	s17 =	sadd.s32 @!p1 s6, s18;
	s15 =	sshll.u32 @!p1 s15, $0x4  }
0x23: {  	s18 =	simm.s32 @!p1 $0x6400;
	s15 =	sadd.s32 @!p1 s15, s17;
	s17 =	simm.s32 @!p1 $0x40  }
0x24: {  	[tilespmem:s16], [sflag:$0x1] =	stream.strided.gather @!p1 [hbm4b:s15+s17], $0x2000, s18, s17, $0x38;
	[tilespmem:$0x8080] =	vst v63  }
0x25: {  	p1 =	sge.u32 s31, s5  }
.Ltmp2:
0x26: {  	_ = 	snop;
	(pc) =	sbr.rel @p1 .LBB1_5-.Ltmp2, $1  }
0x27: {  	_ =	sdelay $0x3  }
0x28: {  	s15 =	simm.s32 $0x1  }
0x29: {  	_ =	swait.ge [sflag:s4], $0x2000;
	s15 =	simm.s32 @!p0 $0x0  }
0x2a: {  	[sflag:s4] =	ssyncset.done $0x0;
	s16 =	sshll.u32 s15, $0xD  }
0x2b: {  	[sflag:s4] =	ssyncadd.s32 $0xFFFFE000;
	s19 =	sor.u32 $0x20, s16  }
0x2c: {  	s15 =	smul.u32 $0x8100, s15;
	v3 =	vld [tilespmem:s19+$0x10]  }
0x2d: {  	s30 =	sand.u32 $0x1, s12;
	v2 =	vld [tilespmem:s19+$0xFFFFFFF0]  }
0x2e: {  	s16 =	smul.u32 $0x8100, s30;
	s15 =	sshrl.u32 s15, $0x2;
	v0 =	vld [tilespmem:s19+$0x0]  }
0x2f: {  	v1 =	vld [tilespmem:s19+$0xFFFFFFE0];
	s17 =	sor.u32 $0x4000, s15  }
0x30: {  	s31 =	sshrl.u32 s16, $0x2;
	s16 =	sadd.s32 $0x0, s17  }
0x31: {  	s18 =	simm.s32 $0x4;
	s19 =	sadd.s32 $0x40, s19;
	s15 =	sor.u32 $0x4000, s31;
	[tilespmem:s16+$0x1830 ss:$0x81] =	vst.msk $0xffff, v3  }
.LBB1_3:
0x32: {  	v3 =	vld [tilespmem:s19+$0x10];
	p1 =	sne.s32 s18, $0x1FC;
	[tilespmem:s16+$0x810 ss:$0x81] =	vst.msk $0xffff, v2;
	s20 =	smov.u32 s18;
	s18 =	sadd.s32 $0x4, s18  }
.Ltmp3:
0x33: {  	v2 =	vld [tilespmem:s19+$0xFFFFFFF0];
	[tilespmem:s16+$0x1020 ss:$0x81] =	vst.msk $0xffff, v0;
	(pc) =	sbr.rel @p1 .LBB1_3-.Ltmp3, $4  }
0x34: {  	v0 =	vld [tilespmem:s19+$0x0];
	[tilespmem:s16+$0x0 ss:$0x81] =	vst.msk $0xffff, v1  }
0x35: {  	s16 =	sshra.s32 s20, $0x2;
	v1 =	vld [tilespmem:s19+$0xFFFFFFE0]  }
0x36: {  	s16 =	sadd.s32 s16, s17  }
0x37: {  	s19 =	sadd.s32 $0x40, s19;
	[tilespmem:s16+$0x1830 ss:$0x81] =	vst.msk $0xffff, v3  }
.Ltmp4:
0x38: {  	_ = 	snop;
	(pc) =	sbr.rel .LBB1_4-.Ltmp4, $1  }
0x39: {  	_ =	sdelay $0x3  }
.LBB1_6:
0x3a: {  	_ =	sfence.sel $0x180000  }
0x3b: {  	s2 =	simm.s32 $0x1;
	[bflag:$0x0] =	sbarrier.arrive $0xFFFF  }
0x3c: {  	s31 =	simm.s32 $0x2;
	[sflag:s2] =	ssyncpa.u1 $0x1  }
0x3d: {  	[sflag:s31] =	ssyncpa.u1 $0x1  }
0x3e: {  	p0 =	sne.s32 s0, $0x0;
	_ =	strace $0x9000004A  }
0x3f: {  	s0 =	sadd.s32 @!p0 $0x100000, s1;
	[bflag:$0x2] =	sbarrier.arrive $0xFFFF  }
0x40: {  	[sflag:s0] =	ssyncadd.tile.s32 @!p0 $0x1;
	_ =	shalt  }
.Lfunc_end1:
_tile_overlayer_lowered:
.L_overlay_start_2:
0x41: {  	(tag) =	ssettag $0x2  }
0x42: {  	s0 =	rddreg [dreg:$0x0];
	s2 =	stileid.u32  }
0x43: {  	s1 =	rddreg [dreg:$0x1];
	p0 =	sne.s32 s2, $0x0  }
0x44: {  	s3 =	rddreg [dreg:$0x2];
	[bflag:$0x3] =	sbarrier.arrive $0xFFFF;
	s2 =	simm.s32 @!p0 $0x1C01  }
0x45: {  	[timem:s3], [sflag:s2] =	dma.local @!p0 [hbm:s0], s1  }
0x46: {  	s0 =	simm.s32 @!p0 $0x1  }
0x47: {  	_ =	swait.ge @!p0 [sflag:s0], s1  }
0x48: {  	s1 =	ssub.s32 @!p0 $0x0, s1;
	[sflag:s0] =	ssyncset.done @!p0 $0x0  }
0x49: {  	[sflag:s0] =	ssyncadd.s32 @!p0 s1  }
0x4a: {  	[bflag:$0x3] =	sbarrier.arrive $0xFFFF  }
0x4b: {  	_ =	shalt  }

</sc_bundles>
